<compile_context>
chip_gen: v7x
topology: tpu7x:2x2x1
jax: 0.10.2.dev20260603
libtpu: 0.0.44.dev20260713+nightly
codegen_flags: <defaults>
</compile_context>

<pallas_src>
import functools

import jax
import jax.numpy as jnp
from jax import lax
from jax.experimental import pallas as pl
from jax.experimental.pallas import tpu as pltpu
from jax.experimental.pallas import tpu_sc as plsc

_NC = 2
_NS = 16
_NW = _NC * _NS


def _sc_gather_rows(baseline_log, idx_b, genotypes, idx_g):
    n_c, n_genes = baseline_log.shape
    n_d, n_var = genotypes.shape
    n_v = idx_b.shape[0]
    n_tasks = n_c + n_d
    n_rounds = (n_tasks + _NW - 1) // _NW
    mesh = plsc.VectorSubcoreMesh(core_axis_name="c", subcore_axis_name="s")

    @functools.partial(
        pl.kernel,
        mesh=mesh,
        out_type=[
            jax.ShapeDtypeStruct((n_c, n_v), jnp.float32),
            jax.ShapeDtypeStruct((n_d, n_v), jnp.float32),
        ],
        scratch_types=[
            pltpu.VMEM((n_genes,), jnp.float32),
            pltpu.VMEM((n_v,), jnp.int32),
            pltpu.VMEM((n_v,), jnp.int32),
            pltpu.VMEM((n_v,), jnp.float32),
        ],
        compiler_params=pltpu.CompilerParams(use_tc_tiling_on_sc=False,
                                             needs_layout_passes=False),
    )
    def gather_kernel(bl, ib, gen, ig, ob, og, rowv, ibv, igv, outv):
        wid = lax.axis_index("s") * _NC + lax.axis_index("c")
        pltpu.sync_copy(ib, ibv)
        pltpu.sync_copy(ig, igv)

        @pl.loop(0, n_rounds)
        def _round(r):
            t = wid + r * _NW

            @pl.when(t < n_c)
            def _():
                pltpu.sync_copy(bl.at[t], rowv)

                @plsc.parallel_loop(0, n_v, step=16, unroll=16)
                def _(i):
                    outv[pl.ds(i, 16)] = plsc.load_gather(rowv, [ibv[pl.ds(i, 16)]])

                pltpu.sync_copy(outv, ob.at[t])

            @pl.when((t >= n_c) & (t < n_tasks))
            def _():
                td = t - n_c
                pltpu.sync_copy(gen.at[td], rowv.at[pl.ds(0, n_var)])

                @plsc.parallel_loop(0, n_v, step=16, unroll=16)
                def _(i):
                    outv[pl.ds(i, 16)] = plsc.load_gather(rowv, [igv[pl.ds(i, 16)]])

                pltpu.sync_copy(outv, og.at[td])

    return gather_kernel(baseline_log, idx_b, genotypes, idx_g)


def _tc_body(b_ref, g_ref, fc_ref, lib_ref, o_ref):
    b = b_ref[...]
    g = g_ref[...]
    fc = fc_ref[...]
    libt = lib_ref[...].T
    x = b[:, None, :] + g[None, :, :] * fc[:, None, :]
    o_ref[...] = jnp.exp(x) * libt[:, :, None]


def kernel(fc_log, genotypes, expression_obs, variantxgene_to_gene,
           local_variant_to_local_variantxgene_selector, variantxgene_to_local_gene,
           lib, baseline_log, dispersion_log):
    n_clusters, n_vxg = fc_log.shape
    n_donors = genotypes.shape[0]

    b, g = _sc_gather_rows(baseline_log, variantxgene_to_gene,
                           genotypes, local_variant_to_local_variantxgene_selector)

    vb = 1024
    out = pl.pallas_call(
        _tc_body,
        grid=(n_vxg // vb,),
        in_specs=[
            pl.BlockSpec((n_clusters, vb), lambda i: (0, i)),
            pl.BlockSpec((n_donors, vb), lambda i: (0, i)),
            pl.BlockSpec((n_clusters, vb), lambda i: (0, i)),
            pl.BlockSpec((n_donors, n_clusters), lambda i: (0, 0)),
        ],
        out_specs=pl.BlockSpec((n_clusters, n_donors, vb), lambda i: (0, 0, i)),
        out_shape=jax.ShapeDtypeStruct((n_clusters, n_donors, n_vxg), jnp.float32),
    )(b, g, fc_log, lib)
    return jnp.transpose(out, (1, 0, 2))

# --- scband reference (transcript-rebuilt; emitter-appended) ---
"""Pipeline reference for scband-model-16673063043581 (READ-ONLY COPY).

The authoritative reference and input builder live on the scoring server;
editing this copy changes nothing except your own understanding.
"""

import jax, jax.numpy as jnp
import numpy as np

N_GENES = 20000
N_CLUSTERS = 25
N_DONORS = 64
N_VXG = 8192
N_VARIANTS = 4000
N_LOCAL_GENES = 2000
EPS = 1e-8


def setup_inputs(seed: int = 0) -> dict:
    key = jax.random.key(seed)
    ks = jax.random.split(key, 9)
    return {
        "fc_log": jax.random.normal(ks[0], (N_CLUSTERS, N_VXG), dtype=jnp.float32) * 0.1,
        "genotypes": jax.random.uniform(ks[1], (N_DONORS, N_VARIANTS), dtype=jnp.float32) * 2.0,
        "expression_obs": jnp.floor(jax.random.uniform(ks[2], (N_DONORS, N_CLUSTERS, N_LOCAL_GENES), dtype=jnp.float32) * 50.0),
        "variantxgene_to_gene": jax.random.randint(ks[3], (N_VXG,), 0, N_GENES, dtype=jnp.int32),
        "local_variant_to_local_variantxgene_selector": jax.random.randint(ks[4], (N_VXG,), 0, N_VARIANTS, dtype=jnp.int32),
        "variantxgene_to_local_gene": jax.random.randint(ks[5], (N_VXG,), 0, N_LOCAL_GENES, dtype=jnp.int32),
        "lib": jax.random.uniform(ks[6], (N_DONORS, N_CLUSTERS), dtype=jnp.float32) * 1000.0 + 100.0,
        "baseline_log": jax.random.normal(ks[7], (N_CLUSTERS, N_GENES), dtype=jnp.float32) * 0.5,
        "dispersion_log": jax.random.normal(ks[8], (N_CLUSTERS, N_GENES), dtype=jnp.float32) * 0.5,
    }


def _nb2_neg_log_prob(mu, dispersion, value):
    # NegativeBinomial2: dispersion clamped, logits/total_count parameterization,
    # log_prob as in torch.distributions.NegativeBinomial
    dispersion = jnp.minimum(dispersion, 20.0)
    logits = jnp.log(mu + EPS) - jnp.log(1.0 / dispersion + EPS)
    total_count = 1.0 / dispersion
    log_unnorm = total_count * jax.nn.log_sigmoid(-logits) + value * jax.nn.log_sigmoid(logits)
    log_norm = -jax.lax.lgamma(total_count + value) + jax.lax.lgamma(1.0 + value) + jax.lax.lgamma(total_count)
    log_norm = jnp.where(total_count + value == 0.0, 0.0, log_norm)
    return -(log_unnorm - log_norm)


def reference(fc_log, genotypes, expression_obs, variantxgene_to_gene,
              local_variant_to_local_variantxgene_selector, variantxgene_to_local_gene,
              lib, baseline_log, dispersion_log):
    # ExpressionPredictor.forward
    g = jnp.take(genotypes, local_variant_to_local_variantxgene_selector, axis=1)  # [D, VXG]
    expression_delta = g[:, None, :] * fc_log[None, :, :]                          # [D, C, VXG]
    expression_log = jnp.take(baseline_log, variantxgene_to_gene, axis=1)[None, :, :] + expression_delta
    expression = jnp.exp(expression_log)
    expressed = expression * lib[:, :, None]
    dispersion = jnp.take(jnp.exp(dispersion_log), variantxgene_to_gene, axis=1)   # [C, VXG]
    obs = jnp.take(expression_obs, variantxgene_to_local_gene, axis=2)             # [D, C, VXG]
    elbo = _nb2_neg_log_prob(expressed, dispersion[None, :, :], obs)
    # original forward returns `expressed`; elbo is computed as a side effect.
    # add 0*elbo to keep the likelihood computation alive without changing values.
    return expressed + 0.0 * elbo

if __name__ == "__main__":
    import jax
    _d = setup_inputs()
    print(jax.jit(kernel)(*tuple(_d.values())))

</pallas_src>

<mosaic_0001>
#map = affine_map<(d0, d1) -> (0, 0)>
#map1 = affine_map<(d0, d1) -> (0)>
module attributes {stable_mosaic.version = 14 : i64} {
  func.func @gather_kernel(%arg0: i32, %arg1: i32, %arg2: memref<25x20000xf32, #tpu.memory_space<hbm>>, %arg3: memref<8192xi32, #tpu.memory_space<hbm>>, %arg4: memref<64x4000xf32, #tpu.memory_space<hbm>>, %arg5: memref<8192xi32, #tpu.memory_space<hbm>>, %arg6: memref<25x8192xf32, #tpu.memory_space<hbm>>, %arg7: memref<64x8192xf32, #tpu.memory_space<hbm>>, %arg8: memref<20000xf32, #tpu.memory_space<vmem>>, %arg9: memref<8192xi32, #tpu.memory_space<vmem>>, %arg10: memref<8192xi32, #tpu.memory_space<vmem>>, %arg11: memref<8192xf32, #tpu.memory_space<vmem>>) attributes {dimension_semantics = [#tpu.dimension_semantics<core_parallel>, #tpu.dimension_semantics<subcore_parallel>], iteration_bounds = array<i64: 2, 16>, scalar_prefetch = 0 : i64, scratch_operands = 4 : i64, tpu.core_type = #tpu.core_type<sc_vector_subcore>, window_params = [{transform_indices = #map}, {transform_indices = #map1}, {transform_indices = #map}, {transform_indices = #map1}, {transform_indices = #map}, {transform_indices = #map}]} {
    %mul3A = arith.constant 2 : i32
    %mul3A_0 = arith.muli %arg1, %mul3A : i32
    %add3A = arith.addi %mul3A_0, %arg0 : i32
    "tpu.region"() ({
      %run_scoped3A = tpu.sem_alloc : memref<!tpu.dma_semaphore, #tpu.memory_space<semaphore_mem>>
      tpu.enqueue_dma source(%arg3 : memref<8192xi32, #tpu.memory_space<hbm>>) target(%arg9 : memref<8192xi32, #tpu.memory_space<vmem>>) target_semaphore(%run_scoped3A : memref<!tpu.dma_semaphore, #tpu.memory_space<semaphore_mem>>)
      tpu.wait_dma2 semaphore(%run_scoped3A : memref<!tpu.dma_semaphore, #tpu.memory_space<semaphore_mem>>) src(%arg3 : memref<8192xi32, #tpu.memory_space<hbm>>) dst(%arg9 : memref<8192xi32, #tpu.memory_space<vmem>>)
      tpu.yield
    }) : () -> ()
    "tpu.region"() ({
      %run_scoped3A = tpu.sem_alloc : memref<!tpu.dma_semaphore, #tpu.memory_space<semaphore_mem>>
      tpu.enqueue_dma source(%arg5 : memref<8192xi32, #tpu.memory_space<hbm>>) target(%arg10 : memref<8192xi32, #tpu.memory_space<vmem>>) target_semaphore(%run_scoped3A : memref<!tpu.dma_semaphore, #tpu.memory_space<semaphore_mem>>)
      tpu.wait_dma2 semaphore(%run_scoped3A : memref<!tpu.dma_semaphore, #tpu.memory_space<semaphore_mem>>) src(%arg5 : memref<8192xi32, #tpu.memory_space<hbm>>) dst(%arg10 : memref<8192xi32, #tpu.memory_space<vmem>>)
      tpu.yield
    }) : () -> ()
    %scan3A = arith.constant 0 : i32
    %scan3A_1 = arith.constant 3 : i32
    %scan3A_2 = arith.addi %scan3A, %scan3A_1 : i32
    %scan3A_3 = arith.constant 1 : i32
    scf.for %scan3A_5 = %scan3A to %scan3A_2 step %scan3A_3  : i32 {
      %mul3A_6 = arith.constant 1 : i32
      %mul3A_7 = arith.muli %scan3A_5, %mul3A_6 : i32
      %add3A_8 = arith.constant 0 : i32
      %add3A_9 = arith.addi %add3A_8, %mul3A_7 : i32
      %mul3A_10 = arith.constant 32 : i32
      %mul3A_11 = arith.muli %add3A_9, %mul3A_10 : i32
      %add3A_12 = arith.addi %add3A, %mul3A_11 : i32
      %lt3A = arith.constant 25 : i32
      %lt3A_13 = arith.cmpi slt, %add3A_12, %lt3A : i32
      %convert_element_type3A = arith.extui %lt3A_13 : i1 to i32
      %cond3A = arith.constant 0 : i32
      %cond3A_14 = arith.cmpi ne, %convert_element_type3A, %cond3A : i32
      scf.if %cond3A_14 {
        "tpu.region"() ({
          %run_scoped3A = tpu.sem_alloc : memref<!tpu.dma_semaphore, #tpu.memory_space<semaphore_mem>>
          %dma_start3A = arith.constant 0 : i32
          %dma_start3A_23 = tpu.memref_slice %arg2[%add3A_12, %dma_start3A] : memref<25x20000xf32, #tpu.memory_space<hbm>> -> memref<1x20000xf32, #tpu.memory_space<hbm>>
          %dma_start3A_24 = tpu.memref_squeeze %dma_start3A_23 : memref<1x20000xf32, #tpu.memory_space<hbm>> -> memref<20000xf32, #tpu.memory_space<hbm>>
          %dma_start3A_25 = arith.constant 0 : i32
          %dma_start3A_26 = tpu.memref_slice %arg2[%add3A_12, %dma_start3A_25] : memref<25x20000xf32, #tpu.memory_space<hbm>> -> memref<1x20000xf32, #tpu.memory_space<hbm>>
          %dma_start3A_27 = tpu.memref_squeeze %dma_start3A_26 : memref<1x20000xf32, #tpu.memory_space<hbm>> -> memref<20000xf32, #tpu.memory_space<hbm>>
          tpu.enqueue_dma source(%dma_start3A_27 : memref<20000xf32, #tpu.memory_space<hbm>>) target(%arg8 : memref<20000xf32, #tpu.memory_space<vmem>>) target_semaphore(%run_scoped3A : memref<!tpu.dma_semaphore, #tpu.memory_space<semaphore_mem>>)
          %dma_wait3A = arith.constant 0 : i32
          %dma_wait3A_28 = tpu.memref_slice %arg2[%add3A_12, %dma_wait3A] : memref<25x20000xf32, #tpu.memory_space<hbm>> -> memref<1x20000xf32, #tpu.memory_space<hbm>>
          %dma_wait3A_29 = tpu.memref_squeeze %dma_wait3A_28 : memref<1x20000xf32, #tpu.memory_space<hbm>> -> memref<20000xf32, #tpu.memory_space<hbm>>
          %dma_wait3A_30 = arith.constant 0 : i32
          %dma_wait3A_31 = tpu.memref_slice %arg2[%add3A_12, %dma_wait3A_30] : memref<25x20000xf32, #tpu.memory_space<hbm>> -> memref<1x20000xf32, #tpu.memory_space<hbm>>
          %dma_wait3A_32 = tpu.memref_squeeze %dma_wait3A_31 : memref<1x20000xf32, #tpu.memory_space<hbm>> -> memref<20000xf32, #tpu.memory_space<hbm>>
          tpu.wait_dma2 semaphore(%run_scoped3A : memref<!tpu.dma_semaphore, #tpu.memory_space<semaphore_mem>>) src(%dma_wait3A_32 : memref<20000xf32, #tpu.memory_space<hbm>>) dst(%arg8 : memref<20000xf32, #tpu.memory_space<vmem>>)
          tpu.yield
        }) : () -> ()
        %parallel_loop3A = arith.constant 0 : i32
        %parallel_loop3A_21 = arith.constant 8192 : i32
        %parallel_loop3A_22 = arith.constant 16 : i32
        scf.for %parallel_loop3A_23 = %parallel_loop3A to %parallel_loop3A_21 step %parallel_loop3A_22  : i32 {
          %parallel_loop3A_24 = arith.index_cast %parallel_loop3A_23 : i32 to index
          %parallel_loop3A_25 = tpu.vector_load %arg9[%parallel_loop3A_24] {strides = array<i32>} : memref<8192xi32, #tpu.memory_space<vmem>>, vector<16xi32>,
          %parallel_loop3A_26 = tpu.vector_load_idx %arg8[%parallel_loop3A_25] : memref<20000xf32, #tpu.memory_space<vmem>>[vector<16xi32>], vector<16xf32>,
          %parallel_loop3A_27 = arith.index_cast %parallel_loop3A_23 : i32 to index
          %parallel_loop3A_28 = tpu.vector_load %arg11[%parallel_loop3A_27] {strides = array<i32>} : memref<8192xf32, #tpu.memory_space<vmem>>, vector<16xf32>,
          tpu.vector_store %arg11[%parallel_loop3A_27], %parallel_loop3A_26 {strides = array<i32>} : memref<8192xf32, #tpu.memory_space<vmem>>, vector<16xf32>,
        } {sc.loop_unroll_factor = 16 : i64, sc.parallel_access}
        "tpu.region"() ({
          %run_scoped3A = tpu.sem_alloc : memref<!tpu.dma_semaphore, #tpu.memory_space<semaphore_mem>>
          %dma_start3A = arith.constant 0 : i32
          %dma_start3A_23 = tpu.memref_slice %arg6[%add3A_12, %dma_start3A] : memref<25x8192xf32, #tpu.memory_space<hbm>> -> memref<1x8192xf32, #tpu.memory_space<hbm>>
          %dma_start3A_24 = tpu.memref_squeeze %dma_start3A_23 : memref<1x8192xf32, #tpu.memory_space<hbm>> -> memref<8192xf32, #tpu.memory_space<hbm>>
          %dma_start3A_25 = arith.constant 0 : i32
          %dma_start3A_26 = tpu.memref_slice %arg6[%add3A_12, %dma_start3A_25] : memref<25x8192xf32, #tpu.memory_space<hbm>> -> memref<1x8192xf32, #tpu.memory_space<hbm>>
          %dma_start3A_27 = tpu.memref_squeeze %dma_start3A_26 : memref<1x8192xf32, #tpu.memory_space<hbm>> -> memref<8192xf32, #tpu.memory_space<hbm>>
          tpu.enqueue_dma source(%arg11 : memref<8192xf32, #tpu.memory_space<vmem>>) target(%dma_start3A_27 : memref<8192xf32, #tpu.memory_space<hbm>>) target_semaphore(%run_scoped3A : memref<!tpu.dma_semaphore, #tpu.memory_space<semaphore_mem>>)
          %dma_wait3A = arith.constant 0 : i32
          %dma_wait3A_28 = tpu.memref_slice %arg6[%add3A_12, %dma_wait3A] : memref<25x8192xf32, #tpu.memory_space<hbm>> -> memref<1x8192xf32, #tpu.memory_space<hbm>>
          %dma_wait3A_29 = tpu.memref_squeeze %dma_wait3A_28 : memref<1x8192xf32, #tpu.memory_space<hbm>> -> memref<8192xf32, #tpu.memory_space<hbm>>
          %dma_wait3A_30 = arith.constant 0 : i32
          %dma_wait3A_31 = tpu.memref_slice %arg6[%add3A_12, %dma_wait3A_30] : memref<25x8192xf32, #tpu.memory_space<hbm>> -> memref<1x8192xf32, #tpu.memory_space<hbm>>
          %dma_wait3A_32 = tpu.memref_squeeze %dma_wait3A_31 : memref<1x8192xf32, #tpu.memory_space<hbm>> -> memref<8192xf32, #tpu.memory_space<hbm>>
          tpu.wait_dma2 semaphore(%run_scoped3A : memref<!tpu.dma_semaphore, #tpu.memory_space<semaphore_mem>>) src(%arg11 : memref<8192xf32, #tpu.memory_space<vmem>>) dst(%dma_wait3A_32 : memref<8192xf32, #tpu.memory_space<hbm>>)
          tpu.yield
        }) : () -> ()
      } else {
      }
      %ge3A = arith.constant 25 : i32
      %ge3A_15 = arith.cmpi sge, %add3A_12, %ge3A : i32
      %lt3A_16 = arith.constant 89 : i32
      %lt3A_17 = arith.cmpi slt, %add3A_12, %lt3A_16 : i32
      %and3A = arith.andi %ge3A_15, %lt3A_17 : i1
      %convert_element_type3A_18 = arith.extui %and3A : i1 to i32
      %cond3A_19 = arith.constant 0 : i32
      %cond3A_20 = arith.cmpi ne, %convert_element_type3A_18, %cond3A_19 : i32
      scf.if %cond3A_20 {
        %sub3A = arith.constant 25 : i32
        %sub3A_21 = arith.subi %add3A_12, %sub3A : i32
        "tpu.region"() ({
          %run_scoped3A = tpu.sem_alloc : memref<!tpu.dma_semaphore, #tpu.memory_space<semaphore_mem>>
          %dma_start3A = arith.constant 0 : i32
          %dma_start3A_24 = tpu.memref_slice %arg8[%dma_start3A] : memref<20000xf32, #tpu.memory_space<vmem>> -> memref<4000xf32, #tpu.memory_space<vmem>>
          %dma_start3A_25 = arith.constant 0 : i32
          %dma_start3A_26 = tpu.memref_slice %arg4[%sub3A_21, %dma_start3A_25] : memref<64x4000xf32, #tpu.memory_space<hbm>> -> memref<1x4000xf32, #tpu.memory_space<hbm>>
          %dma_start3A_27 = tpu.memref_squeeze %dma_start3A_26 : memref<1x4000xf32, #tpu.memory_space<hbm>> -> memref<4000xf32, #tpu.memory_space<hbm>>
          %dma_start3A_28 = arith.constant 0 : i32
          %dma_start3A_29 = tpu.memref_slice %arg8[%dma_start3A_28] : memref<20000xf32, #tpu.memory_space<vmem>> -> memref<4000xf32, #tpu.memory_space<vmem>>
          %dma_start3A_30 = arith.constant 0 : i32
          %dma_start3A_31 = tpu.memref_slice %arg4[%sub3A_21, %dma_start3A_30] : memref<64x4000xf32, #tpu.memory_space<hbm>> -> memref<1x4000xf32, #tpu.memory_space<hbm>>
          %dma_start3A_32 = tpu.memref_squeeze %dma_start3A_31 : memref<1x4000xf32, #tpu.memory_space<hbm>> -> memref<4000xf32, #tpu.memory_space<hbm>>
          tpu.enqueue_dma source(%dma_start3A_32 : memref<4000xf32, #tpu.memory_space<hbm>>) target(%dma_start3A_29 : memref<4000xf32, #tpu.memory_space<vmem>>) target_semaphore(%run_scoped3A : memref<!tpu.dma_semaphore, #tpu.memory_space<semaphore_mem>>)
          %dma_wait3A = arith.constant 0 : i32
          %dma_wait3A_33 = tpu.memref_slice %arg8[%dma_wait3A] : memref<20000xf32, #tpu.memory_space<vmem>> -> memref<4000xf32, #tpu.memory_space<vmem>>
          %dma_wait3A_34 = arith.constant 0 : i32
          %dma_wait3A_35 = tpu.memref_slice %arg4[%sub3A_21, %dma_wait3A_34] : memref<64x4000xf32, #tpu.memory_space<hbm>> -> memref<1x4000xf32, #tpu.memory_space<hbm>>
          %dma_wait3A_36 = tpu.memref_squeeze %dma_wait3A_35 : memref<1x4000xf32, #tpu.memory_space<hbm>> -> memref<4000xf32, #tpu.memory_space<hbm>>
          %dma_wait3A_37 = arith.constant 0 : i32
          %dma_wait3A_38 = tpu.memref_slice %arg8[%dma_wait3A_37] : memref<20000xf32, #tpu.memory_space<vmem>> -> memref<4000xf32, #tpu.memory_space<vmem>>
          %dma_wait3A_39 = arith.constant 0 : i32
          %dma_wait3A_40 = tpu.memref_slice %arg4[%sub3A_21, %dma_wait3A_39] : memref<64x4000xf32, #tpu.memory_space<hbm>> -> memref<1x4000xf32, #tpu.memory_space<hbm>>
          %dma_wait3A_41 = tpu.memref_squeeze %dma_wait3A_40 : memref<1x4000xf32, #tpu.memory_space<hbm>> -> memref<4000xf32, #tpu.memory_space<hbm>>
          tpu.wait_dma2 semaphore(%run_scoped3A : memref<!tpu.dma_semaphore, #tpu.memory_space<semaphore_mem>>) src(%dma_wait3A_41 : memref<4000xf32, #tpu.memory_space<hbm>>) dst(%dma_wait3A_38 : memref<4000xf32, #tpu.memory_space<vmem>>)
          tpu.yield
        }) : () -> ()
        %parallel_loop3A = arith.constant 0 : i32
        %parallel_loop3A_22 = arith.constant 8192 : i32
        %parallel_loop3A_23 = arith.constant 16 : i32
        scf.for %parallel_loop3A_24 = %parallel_loop3A to %parallel_loop3A_22 step %parallel_loop3A_23  : i32 {
          %parallel_loop3A_25 = arith.index_cast %parallel_loop3A_24 : i32 to index
          %parallel_loop3A_26 = tpu.vector_load %arg10[%parallel_loop3A_25] {strides = array<i32>} : memref<8192xi32, #tpu.memory_space<vmem>>, vector<16xi32>,
          %parallel_loop3A_27 = tpu.vector_load_idx %arg8[%parallel_loop3A_26] : memref<20000xf32, #tpu.memory_space<vmem>>[vector<16xi32>], vector<16xf32>,
          %parallel_loop3A_28 = arith.index_cast %parallel_loop3A_24 : i32 to index
          %parallel_loop3A_29 = tpu.vector_load %arg11[%parallel_loop3A_28] {strides = array<i32>} : memref<8192xf32, #tpu.memory_space<vmem>>, vector<16xf32>,
          tpu.vector_store %arg11[%parallel_loop3A_28], %parallel_loop3A_27 {strides = array<i32>} : memref<8192xf32, #tpu.memory_space<vmem>>, vector<16xf32>,
        } {sc.loop_unroll_factor = 16 : i64, sc.parallel_access}
        "tpu.region"() ({
          %run_scoped3A = tpu.sem_alloc : memref<!tpu.dma_semaphore, #tpu.memory_space<semaphore_mem>>
          %dma_start3A = arith.constant 0 : i32
          %dma_start3A_24 = tpu.memref_slice %arg7[%sub3A_21, %dma_start3A] : memref<64x8192xf32, #tpu.memory_space<hbm>> -> memref<1x8192xf32, #tpu.memory_space<hbm>>
          %dma_start3A_25 = tpu.memref_squeeze %dma_start3A_24 : memref<1x8192xf32, #tpu.memory_space<hbm>> -> memref<8192xf32, #tpu.memory_space<hbm>>
          %dma_start3A_26 = arith.constant 0 : i32
          %dma_start3A_27 = tpu.memref_slice %arg7[%sub3A_21, %dma_start3A_26] : memref<64x8192xf32, #tpu.memory_space<hbm>> -> memref<1x8192xf32, #tpu.memory_space<hbm>>
          %dma_start3A_28 = tpu.memref_squeeze %dma_start3A_27 : memref<1x8192xf32, #tpu.memory_space<hbm>> -> memref<8192xf32, #tpu.memory_space<hbm>>
          tpu.enqueue_dma source(%arg11 : memref<8192xf32, #tpu.memory_space<vmem>>) target(%dma_start3A_28 : memref<8192xf32, #tpu.memory_space<hbm>>) target_semaphore(%run_scoped3A : memref<!tpu.dma_semaphore, #tpu.memory_space<semaphore_mem>>)
          %dma_wait3A = arith.constant 0 : i32
          %dma_wait3A_29 = tpu.memref_slice %arg7[%sub3A_21, %dma_wait3A] : memref<64x8192xf32, #tpu.memory_space<hbm>> -> memref<1x8192xf32, #tpu.memory_space<hbm>>
          %dma_wait3A_30 = tpu.memref_squeeze %dma_wait3A_29 : memref<1x8192xf32, #tpu.memory_space<hbm>> -> memref<8192xf32, #tpu.memory_space<hbm>>
          %dma_wait3A_31 = arith.constant 0 : i32
          %dma_wait3A_32 = tpu.memref_slice %arg7[%sub3A_21, %dma_wait3A_31] : memref<64x8192xf32, #tpu.memory_space<hbm>> -> memref<1x8192xf32, #tpu.memory_space<hbm>>
          %dma_wait3A_33 = tpu.memref_squeeze %dma_wait3A_32 : memref<1x8192xf32, #tpu.memory_space<hbm>> -> memref<8192xf32, #tpu.memory_space<hbm>>
          tpu.wait_dma2 semaphore(%run_scoped3A : memref<!tpu.dma_semaphore, #tpu.memory_space<semaphore_mem>>) src(%arg11 : memref<8192xf32, #tpu.memory_space<vmem>>) dst(%dma_wait3A_33 : memref<8192xf32, #tpu.memory_space<hbm>>)
          tpu.yield
        }) : () -> ()
      } else {
      }
    }
    %scan3A_4 = arith.constant 3 : i32
    return
  }
}

module attributes {stable_mosaic.version = 14 : i64} {
  func.func @_tc_body(%arg0: i32, %arg1: memref<25x1024xf32, #tpu.memory_space<vmem>>, %arg2: memref<64x1024xf32, #tpu.memory_space<vmem>>, %arg3: memref<25x1024xf32, #tpu.memory_space<vmem>>, %arg4: memref<64x25xf32, #tpu.memory_space<vmem>>, %arg5: memref<25x64x1024xf32, #tpu.memory_space<vmem>>) attributes {dimension_semantics = [#tpu.dimension_semantics<arbitrary>], iteration_bounds = array<i64: 8>, scalar_prefetch = 0 : i64, scratch_operands = 0 : i64, tpu.core_type = #tpu.core_type<tc>, window_params = [{transform_indices = @transform_0, window_bounds = array<i64: 25, 1024>}, {transform_indices = @transform_1, window_bounds = array<i64: 64, 1024>}, {transform_indices = @transform_2, window_bounds = array<i64: 25, 1024>}, {pipeline_mode = #tpu.pipeline_mode<synchronous>, transform_indices = @transform_3, window_bounds = array<i64: 64, 25>}, {transform_indices = @transform_4, window_bounds = array<i64: 25, 64, 1024>}]} {
    %get3A = arith.constant 0 : index
    %get3A_0 = arith.constant 0 : index
    %get3A_1 = vector.load %arg1[%get3A, %get3A_0] : memref<25x1024xf32, #tpu.memory_space<vmem>>, vector<25x1024xf32>
    %get3A_2 = arith.constant 0 : index
    %get3A_3 = arith.constant 0 : index
    %get3A_4 = vector.load %arg2[%get3A_2, %get3A_3] : memref<64x1024xf32, #tpu.memory_space<vmem>>, vector<64x1024xf32>
    %get3A_5 = arith.constant 0 : index
    %get3A_6 = arith.constant 0 : index
    %get3A_7 = vector.load %arg3[%get3A_5, %get3A_6] : memref<25x1024xf32, #tpu.memory_space<vmem>>, vector<25x1024xf32>
    %get3A_8 = arith.constant 0 : index
    %get3A_9 = arith.constant 0 : index
    %get3A_10 = vector.load %arg4[%get3A_8, %get3A_9] : memref<64x25xf32, #tpu.memory_space<vmem>>, vector<64x25xf32>
    %transpose3A = tpu.transpose %get3A_10, [1, 0] : vector<64x25xf32> -> vector<25x64xf32>
    %broadcast_in_dim3A = vector.shape_cast %get3A_1 : vector<25x1024xf32> to vector<25x1x1024xf32>
    %broadcast_in_dim3A_11 = vector.shape_cast %get3A_4 : vector<64x1024xf32> to vector<1x64x1024xf32>
    %broadcast_in_dim3A_12 = vector.shape_cast %get3A_7 : vector<25x1024xf32> to vector<25x1x1024xf32>
    %mul3A = vector.broadcast %broadcast_in_dim3A_11 : vector<1x64x1024xf32> to vector<25x64x1024xf32>
    %mul3A_13 = vector.broadcast %broadcast_in_dim3A_12 : vector<25x1x1024xf32> to vector<25x64x1024xf32>
    %mul3A_14 = arith.mulf %mul3A, %mul3A_13 : vector<25x64x1024xf32>
    %add3A = vector.broadcast %broadcast_in_dim3A : vector<25x1x1024xf32> to vector<25x64x1024xf32>
    %add3A_15 = arith.addf %add3A, %mul3A_14 : vector<25x64x1024xf32>
    %exp3A = math.exp %add3A_15 : vector<25x64x1024xf32>
    %broadcast_in_dim3A_16 = vector.shape_cast %transpose3A : vector<25x64xf32> to vector<25x64x1xf32>
    %mul3A_17 = vector.broadcast %broadcast_in_dim3A_16 : vector<25x64x1xf32> to vector<25x64x1024xf32>
    %mul3A_18 = arith.mulf %exp3A, %mul3A_17 : vector<25x64x1024xf32>
    %swap3A = arith.constant 0 : index
    %swap3A_19 = arith.constant 0 : index
    %swap3A_20 = arith.constant 0 : index
    %swap3A_21 = vector.load %arg5[%swap3A, %swap3A_19, %swap3A_20] : memref<25x64x1024xf32, #tpu.memory_space<vmem>>, vector<25x64x1024xf32>
    tpu.vector_store %arg5[%swap3A, %swap3A_19, %swap3A_20], %mul3A_18 {strides = array<i32>} : memref<25x64x1024xf32, #tpu.memory_space<vmem>>, vector<25x64x1024xf32>,
    return
  }
  func.func @transform_0(%arg0: i32) -> (i32, i32) {
    %c0_i32 = arith.constant 0 : i32
    %c0_i32_0 = arith.constant 0 : i32
    return %c0_i32, %arg0 : i32, i32
  }
  func.func @transform_1(%arg0: i32) -> (i32, i32) {
    %c0_i32 = arith.constant 0 : i32
    %c0_i32_0 = arith.constant 0 : i32
    return %c0_i32, %arg0 : i32, i32
  }
  func.func @transform_2(%arg0: i32) -> (i32, i32) {
    %c0_i32 = arith.constant 0 : i32
    %c0_i32_0 = arith.constant 0 : i32
    return %c0_i32, %arg0 : i32, i32
  }
  func.func @transform_3(%arg0: i32) -> (i32, i32) {
    %c0_i32 = arith.constant 0 : i32
    %c0_i32_0 = arith.constant 0 : i32
    %c0_i32_1 = arith.constant 0 : i32
    return %c0_i32, %c0_i32_0 : i32, i32
  }
  func.func @transform_4(%arg0: i32) -> (i32, i32, i32) {
    %c0_i32 = arith.constant 0 : i32
    %c0_i32_0 = arith.constant 0 : i32
    %c0_i32_1 = arith.constant 0 : i32
    return %c0_i32, %c0_i32_0, %arg0 : i32, i32, i32
  }
}

</mosaic_0001>

<sc_bundles>
// kernel: kernel.4.cloned.1.call-start
scs
__scs_entry_jumppad:
0x0: {  	(pc) =	sbr.rel $0x88, $3  }
0x1: {  	(tag) =	ssettag $0x0;
	lr =	simm.s32 $0x1  }
0x2: {  	[smem:$0x3F9B] =	sst lr;
	_ =	strace $0xD0000000  }
0x3: {  	_ = 	snop  }
0x4: {  	_ = 	snop  }
0x5: {  	_ = 	snop  }
0x6: {  	_ = 	snop  }
0x7: {  	_ = 	snop  }
__scs_overlays_trampoline_lowered:
0x8: {  	[smem:$0x3FAA] =	sst s0  }
0x9: {  	[smem:$0x3FAB] =	sst s1  }
0xa: {  	[smem:$0x3FAC] =	sst s2  }
0xb: {  	[smem:$0x3FAD] =	sst s3  }
0xc: {  	[smem:$0x3FAE] =	sst s4  }
0xd: {  	[smem:$0x3FAF] =	sst s5  }
0xe: {  	[smem:$0x3FB0] =	sst s6  }
0xf: {  	[smem:$0x3FB1] =	sst s7  }
0x10: {  	[smem:$0x3FB2] =	sst s8  }
0x11: {  	[smem:$0x3FB3] =	sst s9;
	s0 =	simm.s32 @!p0 $0x0  }
0x12: {  	s1 =	sld [smem:$0x3F99];
	s0 =	simm.s32 @p0 $0x1  }
0x13: {  	[smem:$0x3FB4] =	sst s0;
	s0 =	simm.s32 @!p1 $0x0  }
0x14: {  	s2 =	sld [smem:$0x3F98];
	s0 =	simm.s32 @p1 $0x1  }
0x15: {  	[smem:$0x3FB5] =	sst s0;
	s0 =	simm.s32 @!p2 $0x0  }
0x16: {  	s3 =	sld [smem:$0x3FDB];
	s0 =	simm.s32 @p2 $0x1  }
0x17: {  	s4 =	simm.s32 $0x1BF5;
	[smem:$0x3FB7] =	sst s0  }
0x18: {  	s0 =	sld [smem:$0x3F9A];
	_ =	swait.ge [sflag:s4], $0x0  }
0x19: {  	s7 =	sld [smem:$0x3F9B]  }
0x1a: {  	s8 =	sadd.s32 $0xFFFFE003, lr  }
0x1b: {  	s9 =	sadd.s32 $0xFFFFFEF7, lr;
	s5 =	simm.s32 $0xFFFFFFFF;
	p2 =	slt.u32 s8, $0xFFFFF086  }
0x1c: {  	p1 =	slt.u32 s9, $0xF7A;
	s5 =	simm.s32 @!p2 $0x0  }
0x1d: {  	s5 =	simm.s32 @p1 $0x1;
	p0 =	seq.s32 s7, s2  }
0x1e: {  	s7 =	smul.u32 @!p0 $0xF7A, s2;
	p2 =	seq.s32 @!p0 s5, $0x0  }
0x1f: {  	s9 =	smul.u32 $0xF7A, s1;
	s8 =	simm.s32 @!p0 $0x1BF5;
	p2 =	por !p2, p0  }
0x20: {  	[sflag:s8] =	ssyncset.s32 @!p0 $0xFFFFF086;
	s6 =	sadd.s32 @!p0 s3, s7;
	s7 =	simm.s32 @!p0 $0x108  }
0x21: {  	s3 =	sadd.s32 s3, s9;
	s6 =	sadd.s32 @!p0 $0x88, s6;
	s7 =	simm.s32 @p2 $0x1082  }
0x22: {  	[simem:s7], [sflag:s8] =	dma.local @!p0 [hbm:s6], $0xF7A  }
0x23: {  	s9 =	sor.u32 $0xD0000000, s2;
	s6 =	simm.s32 $0x108;
	_ =	swait.ge @!p0 [sflag:s8], $0x0  }
0x24: {  	s3 =	sadd.s32 $0x88, s3;
	s6 =	simm.s32 @!p1 $0x1082;
	[sflag:s4] =	ssyncset.s32 $0xFFFFF086  }
0x25: {  	[simem:s6], [sflag:s4] =	dma.local [hbm:s3], $0xF7A  }
0x26: {  	[smem:$0x3F9B] =	sst s1;
	(tag) =	ssettag s2;
	_ =	strace s9  }
0x27: {  	s1 =	sld [smem:$0x3FAB]  }
0x28: {  	s2 =	sld [smem:$0x3FAC]  }
0x29: {  	s4 =	sld [smem:$0x3FAE]  }
0x2a: {  	p0 =	seq.s32 s5, $0x0;
	s5 =	sld [smem:$0x3FAF]  }
0x2b: {  	s6 =	sld [smem:$0x3FB0]  }
0x2c: {  	s7 =	sld [smem:$0x3FB1]  }
0x2d: {  	s3 =	simm.s32 $0x108;
	s8 =	sld [smem:$0x3FB2]  }
0x2e: {  	s3 =	simm.s32 @!p0 $0x1082;
	s9 =	sld [smem:$0x3FB3]  }
0x2f: {  	lr =	sadd.s32 s0, s3;
	s0 =	sld [smem:$0x3FAA]  }
0x30: {  	s3 =	sld [smem:$0x3FAD]  }
0x31: {  	[smem:$0x3FB6] =	sst s10  }
0x32: {  	s10 =	sld [smem:$0x3FB4];
	_ =	sdelay $0x3  }
0x33: {  	p0 =	seq.s32 s10, $0x1;
	s10 =	sld [smem:$0x3FB6];
	_ =	sdelay $0x3  }
0x34: {  	[smem:$0x3FB6] =	sst s10  }
0x35: {  	s10 =	sld [smem:$0x3FB5];
	_ =	sdelay $0x3  }
0x36: {  	p1 =	seq.s32 s10, $0x1;
	s10 =	sld [smem:$0x3FB6];
	_ =	sdelay $0x3  }
0x37: {  	[smem:$0x3FB6] =	sst s10  }
0x38: {  	s10 =	sld [smem:$0x3FB7]  }
0x39: {  	_ = 	snop;
	(pc) =	sbr.ind lr, $3  }
0x3a: {  	_ = 	snop  }
0x3b: {  	_ = 	snop  }
0x3c: {  	p2 =	seq.s32 s10, $0x1;
	s10 =	sld [smem:$0x3FB6]  }
0x3d: {  	_ =	shalt  }
0x3e: {  	_ =	shalt  }
0x3f: {  	_ =	shalt  }
0x40: {  	_ =	shalt  }
0x41: {  	_ =	shalt  }
0x42: {  	_ =	shalt  }
0x43: {  	_ =	shalt  }
0x44: {  	_ =	shalt  }
0x45: {  	_ =	shalt  }
0x46: {  	_ =	shalt  }
0x47: {  	_ =	shalt  }
0x48: {  	_ =	shalt  }
0x49: {  	_ =	shalt  }
0x4a: {  	_ =	shalt  }
0x4b: {  	_ =	shalt  }
0x4c: {  	_ =	shalt  }
0x4d: {  	_ =	shalt  }
0x4e: {  	_ =	shalt  }
0x4f: {  	_ =	shalt  }
0x50: {  	_ =	shalt  }
0x51: {  	_ =	shalt  }
0x52: {  	_ =	shalt  }
0x53: {  	_ =	shalt  }
0x54: {  	_ =	shalt  }
0x55: {  	_ =	shalt  }
0x56: {  	_ =	shalt  }
0x57: {  	_ =	shalt  }
0x58: {  	_ =	shalt  }
0x59: {  	_ =	shalt  }
0x5a: {  	_ =	shalt  }
0x5b: {  	_ =	shalt  }
0x5c: {  	_ =	shalt  }
0x5d: {  	_ =	shalt  }
0x5e: {  	_ =	shalt  }
0x5f: {  	_ =	shalt  }
0x60: {  	_ =	shalt  }
0x61: {  	_ =	shalt  }
0x62: {  	_ =	shalt  }
0x63: {  	_ =	shalt  }
0x64: {  	_ =	shalt  }
0x65: {  	_ =	shalt  }
0x66: {  	_ =	shalt  }
0x67: {  	_ =	shalt  }
0x68: {  	_ =	shalt  }
0x69: {  	_ =	shalt  }
0x6a: {  	_ =	shalt  }
0x6b: {  	_ =	shalt  }
0x6c: {  	_ =	shalt  }
0x6d: {  	_ =	shalt  }
0x6e: {  	_ =	shalt  }
0x6f: {  	_ =	shalt  }
0x70: {  	_ =	shalt  }
0x71: {  	_ =	shalt  }
0x72: {  	_ =	shalt  }
0x73: {  	_ =	shalt  }
0x74: {  	_ =	shalt  }
0x75: {  	_ =	shalt  }
0x76: {  	_ =	shalt  }
0x77: {  	_ =	shalt  }
0x78: {  	_ =	shalt  }
0x79: {  	_ =	shalt  }
0x7a: {  	_ =	shalt  }
0x7b: {  	_ =	shalt  }
0x7c: {  	_ =	shalt  }
0x7d: {  	_ =	shalt  }
0x7e: {  	_ =	shalt  }
0x7f: {  	_ =	shalt  }
0x80: {  	_ =	shalt  }
0x81: {  	_ =	shalt  }
0x82: {  	_ =	shalt  }
0x83: {  	_ =	shalt  }
0x84: {  	_ =	shalt  }
0x85: {  	_ =	shalt  }
0x86: {  	_ =	shalt  }
0x87: {  	_ =	shalt  }
.Lfunc_end0:
.L_simem_size_0:
called_computation_lowered:
.L_overlay_start_0:
0x88: {  	s2 =	sld [smem:$0x3FD9]  }
0x89: {  	s3 =	sld [smem:$0x3FFE];
	_ =	sdelay $0x1  }
0x8a: {  	s1 =	srdreg.scid  }
0x8b: {  	s0 =	sand.u32 $0x1, s1  }
0x8c: {  	s17 =	sshll.u32 s0, $0xA;
	s2 =	sadd.s32 s3, s2  }
0x8d: {  	s2 =	sadd.s32 s2, s17  }
0x8e: {  	[smem:$0x3FC2] =	sst s2  }
0x8f: {  	_ = 	snop  }
0x90: {  	s2 =	sld [smem:$0x3FC7]  }
0x91: {  	s18 =	sld [smem:$0x3FC6]  }
0x92: {  	s4 =	sld [smem:$0x3FD0];
	(tm) =	ssettm $0x1  }
0x93: {  	s5 =	sld [smem:$0x3FFB];
	_ =	sdelay $0x3  }
0x94: {  	_ =	strace s5  }
0x95: {  	s5 =	sld [smem:$0x3FFC];
	_ =	sdelay $0x3  }
0x96: {  	_ =	strace s5  }
0x97: {  	s5 =	sld [smem:$0x3FFD];
	_ =	sdelay $0x3  }
0x98: {  	_ =	strace s5  }
0x99: {  	_ =	strace $0x8FFFFFFF  }
0x9a: {  	s19 =	sld [smem:$0x3FDB];
	_ =	sdelay $0x1  }
0x9b: {  	s6 =	simm.s32 $_scs_section_size  }
0x9c: {  	s7 =	simm.s32 $_size__tile_overlayer_lowered;
	s8 =	simm.s32 $_tile_overlayer_lowered  }
0x9d: {  	s22 =	simm.s32 $0x1BFF;
	s21 =	sshll.u32 s8, $0x1;
	s5 =	sadd.s32 s6, s19  }
0x9e: {  	s9 =	simm.s32 $0x0;
	s20 =	sshll.u32 s7, $0x1;
	s7 =	sadd.s32 s21, s5  }
0x9f: {  	[timem:s9], [sflag:s22] =	dma.local [hbm:s7], s20  }
0xa0: {  	_ =	swait.ge [sflag:s22], s20  }
0xa1: {  	s6 =	ssub.s32 $0x0, s20;
	[sflag:s22] =	ssyncset.done $0x0  }
0xa2: {  	[sflag:s22] =	ssyncadd.s32 s6;
	_ =	sdelay $0x1  }
0xa3: {  	s23 =	simm.s32 $0x1B8B  }
0xa4: {  	_ =	swait.ge [sflag:s23], $0x1  }
0xa5: {  	[sflag:s23] =	ssyncset.done $0x0  }
0xa6: {  	s25 =	simm.s32 $0x1B8E;
	s24 =	sld [smem:$0x3FFE];
	[sflag:s23] =	ssyncadd.s32 $0xFFFFFFFF  }
0xa7: {  	s26 =	simm.s32 $execute0_lowered;
	[smem:$0x3FD2] =	sst s25  }
0xa8: {  	s7 =	sshll.u32 s26, $0x1;
	_ =	strace $0x80000046;
	[dreg:$0x1] =	wrdreg $0xFFFFFFFF  }
0xa9: {  	s28 =	simm.s32 $_size_execute0_lowered;
	s5 =	sadd.s32 s5, s7;
	[dreg:$0x0] =	wrdreg $0x0  }
0xaa: {  	s7 =	sshll.u32 s28, $0x1;
	[dreg:$0x2] =	wrdreg s5  }
0xab: {  	[dreg:$0x3] =	wrdreg s7  }
0xac: {  	[dreg:$0x4] =	wrdreg $0xC0  }
0xad: {  	_ =	task [dreg:s9], $0x5FFFF  }
0xae: {  	[dreg:$0x1] =	wrdreg $0xFFFFFFFF  }
0xaf: {  	[dreg:$0x0] =	wrdreg $0x60  }
0xb0: {  	[dreg:$0x2] =	wrdreg s24  }
0xb1: {  	[dreg:$0x3] =	wrdreg s2  }
0xb2: {  	[dreg:$0x4] =	wrdreg s18  }
0xb3: {  	[dreg:$0x5] =	wrdreg s4  }
0xb4: {  	[dreg:$0x6] =	wrdreg $0x9  }
0xb5: {  	_ =	task.clear_ibuf [dreg:s9], $0x7FFFF;
	_ =	strace $0x90000046  }
0xb6: {  	s29 =	simm.s32 $0x9;
	_ =	strace $0x80000048  }
0xb7: {  	_ =	swait.ge [sflag:s29], $0x1  }
0xb8: {  	[sflag:s29] =	ssyncadd.s32 $0xFFFFFFFF  }
0xb9: {  	_ =	strace $0x90000048  }
0xba: {  	_ =	sfence  }
0xbb: {  	s30 =	sld [smem:$0x0];
	_ =	sdelay $0x2  }
0xbc: {  	s31 =	sshll.u32 s1, $0xD;
	s1 =	sshrl.u32 s1, $0x2  }
0xbd: {  	s3 =	sand.u32 $0x4000, s31;
	s1 =	sadd.s32 s1, s30  }
0xbe: {  	s0 =	sor.u32 s3, s0;
	s1 =	sshll.u32 s1, $0x11  }
0xbf: {  	s0 =	sor.u32 s1, s0  }
0xc0: {  	s0 =	sadd.s32 $0x8F2B, s0  }
0xc1: {  	[sflag:s0] =	ssyncadd.remote.s32 $0x1  }
0xc2: {  	_ =	sfence.sel $0xFFFF  }
0xc3: {  	[dreg:$0x0] =	wrdreg $0xFFFFFFFF;
	(pc) =	sbr.abs _section_cstart, $3  }
0xc4: {  	[dreg:$0x1] =	wrdreg $0xFFFFFFFF  }
0xc5: {  	_ =	task.clear_ibuf [dreg:s9], $0x2FFFF;
	_ =	strace $0x9FFFFFFF  }
0xc6: {  	(tm) =	ssettm $0x7FFFFFFF  }
0xc7: {  	_ =	shalt  }
tec
execute0_lowered:
.L_overlay_start_1:
0x0: {  	(tag) =	ssettag $0x1  }
0x1: {  	s9 =	rddreg [dreg:$0x0]  }
0x2: {  	s1 =	rddreg [dreg:$0x1]  }
0x3: {  	s2 =	rddreg [dreg:$0x2]  }
0x4: {  	s3 =	rddreg [dreg:$0x3];
	s5 =	srdreg.scid  }
0x5: {  	s0 =	rddreg [dreg:$0x4];
	s4 =	simm.s32 $0x0;
	s6 =	stileid.u32  }
0x6: {  	s12 =	simm.s32 $0x4E20;
	s13 =	simm.s32 $0x1;
	s14 =	simm.s32 $0x6E20  }
.Ltmp0:
0x7: {  	s15 =	simm.s32 $0x2;
	s5 =	sand.u32 $0x1, s5;
	(pc) =	sbr.rel .LBB2_1-.Ltmp0, $4  }
0x8: {  	s16 =	simm.s32 $0x8E20;
	s17 =	simm.s32 $0x0;
	s10 =	ssub.s32 $0x2, s5  }
0x9: {  	[smem:$0x7FF] =	sst s4;
	s7 =	sadd.s32 $0x8C00, s9;
	s11 =	sshrl.u32 s10, $0x1  }
0xa: {  	s8 =	sadd.s32 $0xE00, s9;
	s9 =	sadd.s32 $0x18200, s9;
	s11 =	ssub.s32 s10, s11  }
0xb: {  	_ =	strace $0x80000047;
	s10 =	sshll.u32 s6, $0x1;
	s11 =	smax.u32 s11, $0x1  }
.LBB2_12:
0xc: {  	s17 =	sadd.s32 $0x1, s17  }
0xd: {  	p0 =	sne.s32 s17, s11  }
.Ltmp1:
0xe: {  	_ = 	snop;
	(pc) =	sbr.rel @!p0 .LBB2_13-.Ltmp1, $1  }
0xf: {  	_ =	sdelay $0x3  }
.LBB2_1:
0x10: {  	[tilespmem:s12], [sflag:$0x1] =	stream.linear.gather [hbm4b:s1+s4], $0x2000, $0x38;
	[tilespmem:$0xAE20] =	vst v63  }
0x11: {  	_ =	swait.ge [sflag:s13], $0x2000  }
0x12: {  	[sflag:s13] =	ssyncset.done $0x0  }
.Ltmp2:
0x13: {  	[sflag:s13] =	ssyncadd.s32 $0xFFFFE000;
	(pc) =	sbr.rel .LBB2_2-.Ltmp2, $4  }
0x14: {  	[tilespmem:s14], [sflag:$0x1] =	stream.linear.gather [hbm4b:s2+s4], $0x2000, $0x38;
	[tilespmem:$0xAE20] =	vst v63  }
0x15: {  	_ =	swait.ge [sflag:s13], $0x2000  }
0x16: {  	[sflag:s13] =	ssyncset.done $0x0  }
0x17: {  	s18 =	simm.s32 $0x0;
	[sflag:s13] =	ssyncadd.s32 $0xFFFFE000  }
.LBB2_9:
0x18: {  	[tilespmem:s20+$0x10] =	vst v0  }
0x19: {  	[tilespmem:s20+$0x20] =	vst v1  }
0x1a: {  	[tilespmem:s20+$0x30] =	vst v2  }
0x1b: {  	[tilespmem:s20+$0x40] =	vst v3  }
0x1c: {  	[tilespmem:s20+$0x50] =	vst v4  }
0x1d: {  	[tilespmem:s20+$0x60] =	vst v5;
	s20 =	simm.s32 $0x1;
	s21 =	smov.u32 s3  }
.LBB2_10:
0x1e: {  	s19 =	sshll.u32 s19, $0xA  }
0x1f: {  	s19 =	sadd.s32 s21, s19  }
0x20: {  	[hbm4b:s19+s4] =	stream.linear.scatter [tilespmem:s16], [sflag:s20], $0x2000, $0x38;
	[tilespmem:$0xAE20] =	vst v63  }
0x21: {  	_ =	swait.ge [sflag:s20], $0x2000  }
0x22: {  	[sflag:s20] =	ssyncset.done $0x0  }
0x23: {  	[sflag:s20] =	ssyncadd.s32 $0xFFFFE000  }
.LBB2_11:
0x24: {  	s18 =	sadd.s32 $0x1, s18  }
0x25: {  	p0 =	sne.s32 s18, $0x3  }
.Ltmp3:
0x26: {  	_ = 	snop;
	(pc) =	sbr.rel @!p0 .LBB2_12-.Ltmp3, $1  }
0x27: {  	_ =	sdelay $0x3  }
.LBB2_2:
0x28: {  	s19 =	sshll.u32 s18, $0x5  }
0x29: {  	s19 =	sor.u32 s19, s10  }
0x2a: {  	s19 =	sor.u32 s5, s19  }
0x2b: {  	p0 =	sgt.u32 s19, $0x18  }
.Ltmp4:
0x2c: {  	_ = 	snop;
	(pc) =	sbr.rel @p0 .LBB2_6-.Ltmp4, $1  }
0x2d: {  	_ =	sdelay $0x3  }
0x2e: {  	s20 =	smul.u32 $0x9C4, s19;
	_ =	sdelay $0x1  }
0x2f: {  	s20 =	sadd.s32 s7, s20  }
0x30: {  	[tilespmem:s4], [sflag:$0x2] =	stream.linear.gather [hbm4b:s20+s4], $0x4E20, $0x38;
	[tilespmem:$0xAE20] =	vst v63  }
0x31: {  	_ =	swait.ge [sflag:s15], $0x4E20  }
0x32: {  	[sflag:s15] =	ssyncset.done $0x0  }
0x33: {  	s31 =	simm.s32 $0x4EA0;
	[sflag:s15] =	ssyncadd.s32 $0xFFFFB1E0  }
0x34: {  	v0 =	vld [tilespmem:s31+$0x70]  }
0x35: {  	v1 =	vld [tilespmem:s31+$0xFFFFFF90]  }
0x36: {  	v2 =	vld [tilespmem:s31+$0xFFFFFFA0]  }
0x37: {  	v3 =	vld [tilespmem:s31+$0xFFFFFFB0]  }
0x38: {  	v4 =	vld [tilespmem:s31+$0xFFFFFFC0]  }
0x39: {  	v5 =	vld [tilespmem:s31+$0xFFFFFFD0]  }
0x3a: {  	v6 =	vld [tilespmem:s31+$0xFFFFFFE0]  }
0x3b: {  	v7 =	vld [tilespmem:s31+$0xFFFFFFF0]  }
0x3c: {  	v8 =	vld [tilespmem:s31+$0x0]  }
0x3d: {  	v9 =	vld [tilespmem:s31+$0x10]  }
0x3e: {  	v10 =	vld [tilespmem:s31+$0x20]  }
0x3f: {  	v11 =	vld [tilespmem:s31+$0x30]  }
0x40: {  	v12 =	vld [tilespmem:s31+$0x40]  }
0x41: {  	v13 =	vld [tilespmem:s31+$0x50]  }
0x42: {  	v14 =	vld [tilespmem:s31+$0x60]  }
0x43: {  	v15 =	vld [tilespmem:s31+$0xFFFFFF80]  }
0x44: {  	v0 =	vld.idx.msk [tilespmem:v0+s4+$0x0], $0xffff  }
0x45: {  	v1 =	vld.idx.msk [tilespmem:v1+s4+$0x0], $0xffff  }
0x46: {  	v2 =	vld.idx.msk [tilespmem:v2+s4+$0x0], $0xffff  }
0x47: {  	v3 =	vld.idx.msk [tilespmem:v3+s4+$0x0], $0xffff  }
0x48: {  	v4 =	vld.idx.msk [tilespmem:v4+s4+$0x0], $0xffff  }
0x49: {  	s20 =	simm.s32 $0x8EA0;
	v5 =	vld.idx.msk [tilespmem:v5+s4+$0x0], $0xffff  }
0x4a: {  	v6 =	vld.idx.msk [tilespmem:v6+s4+$0x0], $0xffff;
	[tilespmem:s20+$0x70] =	vst v0  }
0x4b: {  	v7 =	vld.idx.msk [tilespmem:v7+s4+$0x0], $0xffff;
	[tilespmem:s20+$0xFFFFFF90] =	vst v1  }
0x4c: {  	v15 =	vld.idx.msk [tilespmem:v15+s4+$0x0], $0xffff;
	[tilespmem:s20+$0xFFFFFFA0] =	vst v2  }
0x4d: {  	v8 =	vld.idx.msk [tilespmem:v8+s4+$0x0], $0xffff;
	[tilespmem:s20+$0xFFFFFFB0] =	vst v3  }
0x4e: {  	[tilespmem:s20+$0xFFFFFFC0] =	vst v4;
	v0 =	vld.idx.msk [tilespmem:v9+s4+$0x0], $0xffff  }
0x4f: {  	[tilespmem:s20+$0xFFFFFFD0] =	vst v5;
	v1 =	vld.idx.msk [tilespmem:v10+s4+$0x0], $0xffff  }
0x50: {  	[tilespmem:s20+$0xFFFFFFE0] =	vst v6;
	v2 =	vld.idx.msk [tilespmem:v11+s4+$0x0], $0xffff  }
0x51: {  	[tilespmem:s20+$0xFFFFFFF0] =	vst v7;
	v3 =	vld.idx.msk [tilespmem:v12+s4+$0x0], $0xffff  }
0x52: {  	[tilespmem:s20+$0xFFFFFF80] =	vst v15;
	v4 =	vld.idx.msk [tilespmem:v13+s4+$0x0], $0xffff  }
0x53: {  	s21 =	simm.s32 $0x0;
	s22 =	simm.s32 $0x4FA0;
	[tilespmem:s20+$0x0] =	vst v8;
	v5 =	vld.idx.msk [tilespmem:v14+s4+$0x0], $0xffff  }
.LBB2_4:
0x54: {  	v6 =	vld [tilespmem:s22+$0x70];
	s21 =	sadd.s32 $0x100, s21;
	[tilespmem:s20+$0x10] =	vst v0  }
0x55: {  	v0 =	vld [tilespmem:s22+$0xFFFFFF90];
	p0 =	slt.u32 s21, $0x1F00;
	[tilespmem:s20+$0x20] =	vst v1  }
0x56: {  	v1 =	vld [tilespmem:s22+$0xFFFFFFA0];
	[tilespmem:s20+$0x30] =	vst v2  }
0x57: {  	v2 =	vld [tilespmem:s22+$0xFFFFFFB0];
	[tilespmem:s20+$0x40] =	vst v3  }
0x58: {  	v3 =	vld [tilespmem:s22+$0xFFFFFFC0];
	[tilespmem:s20+$0x50] =	vst v4  }
0x59: {  	v4 =	vld [tilespmem:s22+$0xFFFFFFD0];
	[tilespmem:s20+$0x60] =	vst v5  }
0x5a: {  	v5 =	vld [tilespmem:s22+$0xFFFFFFE0]  }
0x5b: {  	v7 =	vld [tilespmem:s22+$0xFFFFFFF0]  }
0x5c: {  	v6 =	vld.idx.msk [tilespmem:v6+s4+$0x0], $0xffff  }
0x5d: {  	v8 =	vld [tilespmem:s22+$0x0]  }
0x5e: {  	v9 =	vld [tilespmem:s22+$0x10]  }
0x5f: {  	v10 =	vld [tilespmem:s22+$0x20]  }
0x60: {  	v11 =	vld [tilespmem:s22+$0x30]  }
0x61: {  	s20 =	sadd.s32 $0x100, s20;
	v12 =	vld [tilespmem:s22+$0x40]  }
0x62: {  	v13 =	vld [tilespmem:s22+$0x50];
	[tilespmem:s20+$0x70] =	vst v6  }
0x63: {  	v6 =	vld [tilespmem:s22+$0x60]  }
0x64: {  	v14 =	vld [tilespmem:s22+$0xFFFFFF80]  }
0x65: {  	v0 =	vld.idx.msk [tilespmem:v0+s4+$0x0], $0xffff  }
0x66: {  	v1 =	vld.idx.msk [tilespmem:v1+s4+$0x0], $0xffff  }
0x67: {  	v2 =	vld.idx.msk [tilespmem:v2+s4+$0x0], $0xffff  }
0x68: {  	v3 =	vld.idx.msk [tilespmem:v3+s4+$0x0], $0xffff  }
0x69: {  	v4 =	vld.idx.msk [tilespmem:v4+s4+$0x0], $0xffff  }
0x6a: {  	v5 =	vld.idx.msk [tilespmem:v5+s4+$0x0], $0xffff  }
0x6b: {  	[tilespmem:s20+$0xFFFFFF90] =	vst v0;
	v7 =	vld.idx.msk [tilespmem:v7+s4+$0x0], $0xffff  }
0x6c: {  	v14 =	vld.idx.msk [tilespmem:v14+s4+$0x0], $0xffff;
	[tilespmem:s20+$0xFFFFFFA0] =	vst v1  }
0x6d: {  	[tilespmem:s20+$0xFFFFFFB0] =	vst v2;
	v8 =	vld.idx.msk [tilespmem:v8+s4+$0x0], $0xffff  }
0x6e: {  	[tilespmem:s20+$0xFFFFFFC0] =	vst v3;
	v0 =	vld.idx.msk [tilespmem:v9+s4+$0x0], $0xffff  }
.Ltmp5:
0x6f: {  	[tilespmem:s20+$0xFFFFFFD0] =	vst v4;
	v1 =	vld.idx.msk [tilespmem:v10+s4+$0x0], $0xffff;
	(pc) =	sbr.rel @p0 .LBB2_4-.Ltmp5, $4  }
0x70: {  	[tilespmem:s20+$0xFFFFFFE0] =	vst v5;
	v2 =	vld.idx.msk [tilespmem:v11+s4+$0x0], $0xffff  }
0x71: {  	[tilespmem:s20+$0xFFFFFFF0] =	vst v7;
	v3 =	vld.idx.msk [tilespmem:v12+s4+$0x0], $0xffff  }
0x72: {  	[tilespmem:s20+$0xFFFFFF80] =	vst v14;
	v4 =	vld.idx.msk [tilespmem:v13+s4+$0x0], $0xffff  }
0x73: {  	s22 =	sadd.s32 $0x100, s22;
	[tilespmem:s20+$0x0] =	vst v8;
	v5 =	vld.idx.msk [tilespmem:v6+s4+$0x0], $0xffff  }
0x74: {  	[tilespmem:s20+$0x10] =	vst v0  }
.Ltmp6:
0x75: {  	[tilespmem:s20+$0x20] =	vst v1;
	(pc) =	sbr.rel .LBB2_10-.Ltmp6, $4  }
0x76: {  	[tilespmem:s20+$0x30] =	vst v2  }
0x77: {  	[tilespmem:s20+$0x40] =	vst v3  }
0x78: {  	[tilespmem:s20+$0x50] =	vst v4  }
0x79: {  	s21 =	smov.u32 s9;
	[tilespmem:s20+$0x60] =	vst v5;
	s20 =	simm.s32 $0x2  }
.LBB2_6:
0x7a: {  	s19 =	sadd.s32 $0xFFFFFFE7, s19  }
0x7b: {  	p0 =	sgt.u32 s19, $0x3F  }
.Ltmp7:
0x7c: {  	_ = 	snop;
	(pc) =	sbr.rel @p0 .LBB2_11-.Ltmp7, $1  }
0x7d: {  	_ =	sdelay $0x3  }
0x7e: {  	s20 =	smul.u32 $0x1F4, s19;
	_ =	sdelay $0x1  }
0x7f: {  	s20 =	sadd.s32 s8, s20  }
0x80: {  	[tilespmem:s4], [sflag:$0x2] =	stream.linear.gather [hbm4b:s20+s4], $0xFA0, $0x38;
	[tilespmem:$0xAE20] =	vst v63  }
0x81: {  	_ =	swait.ge [sflag:s15], $0xFA0  }
0x82: {  	[sflag:s15] =	ssyncset.done $0x0  }
0x83: {  	s31 =	simm.s32 $0x6EA0;
	[sflag:s15] =	ssyncadd.s32 $0xFFFFF060  }
0x84: {  	v0 =	vld [tilespmem:s31+$0x70]  }
0x85: {  	v1 =	vld [tilespmem:s31+$0xFFFFFF90]  }
0x86: {  	v2 =	vld [tilespmem:s31+$0xFFFFFFA0]  }
0x87: {  	v3 =	vld [tilespmem:s31+$0xFFFFFFB0]  }
0x88: {  	v4 =	vld [tilespmem:s31+$0xFFFFFFC0]  }
0x89: {  	v5 =	vld [tilespmem:s31+$0xFFFFFFD0]  }
0x8a: {  	v6 =	vld [tilespmem:s31+$0xFFFFFFE0]  }
0x8b: {  	v7 =	vld [tilespmem:s31+$0xFFFFFFF0]  }
0x8c: {  	v8 =	vld [tilespmem:s31+$0x0]  }
0x8d: {  	v9 =	vld [tilespmem:s31+$0x10]  }
0x8e: {  	v10 =	vld [tilespmem:s31+$0x20]  }
0x8f: {  	v11 =	vld [tilespmem:s31+$0x30]  }
0x90: {  	v12 =	vld [tilespmem:s31+$0x40]  }
0x91: {  	v13 =	vld [tilespmem:s31+$0x50]  }
0x92: {  	v14 =	vld [tilespmem:s31+$0x60]  }
0x93: {  	v15 =	vld [tilespmem:s31+$0xFFFFFF80]  }
0x94: {  	v0 =	vld.idx.msk [tilespmem:v0+s4+$0x0], $0xffff  }
0x95: {  	v1 =	vld.idx.msk [tilespmem:v1+s4+$0x0], $0xffff  }
0x96: {  	v2 =	vld.idx.msk [tilespmem:v2+s4+$0x0], $0xffff  }
0x97: {  	v3 =	vld.idx.msk [tilespmem:v3+s4+$0x0], $0xffff  }
0x98: {  	v4 =	vld.idx.msk [tilespmem:v4+s4+$0x0], $0xffff  }
0x99: {  	s20 =	simm.s32 $0x8EA0;
	v5 =	vld.idx.msk [tilespmem:v5+s4+$0x0], $0xffff  }
0x9a: {  	v6 =	vld.idx.msk [tilespmem:v6+s4+$0x0], $0xffff;
	[tilespmem:s20+$0x70] =	vst v0  }
0x9b: {  	v7 =	vld.idx.msk [tilespmem:v7+s4+$0x0], $0xffff;
	[tilespmem:s20+$0xFFFFFF90] =	vst v1  }
0x9c: {  	v15 =	vld.idx.msk [tilespmem:v15+s4+$0x0], $0xffff;
	[tilespmem:s20+$0xFFFFFFA0] =	vst v2  }
0x9d: {  	v8 =	vld.idx.msk [tilespmem:v8+s4+$0x0], $0xffff;
	[tilespmem:s20+$0xFFFFFFB0] =	vst v3  }
0x9e: {  	[tilespmem:s20+$0xFFFFFFC0] =	vst v4;
	v0 =	vld.idx.msk [tilespmem:v9+s4+$0x0], $0xffff  }
0x9f: {  	[tilespmem:s20+$0xFFFFFFD0] =	vst v5;
	v1 =	vld.idx.msk [tilespmem:v10+s4+$0x0], $0xffff  }
0xa0: {  	[tilespmem:s20+$0xFFFFFFE0] =	vst v6;
	v2 =	vld.idx.msk [tilespmem:v11+s4+$0x0], $0xffff  }
0xa1: {  	[tilespmem:s20+$0xFFFFFFF0] =	vst v7;
	v3 =	vld.idx.msk [tilespmem:v12+s4+$0x0], $0xffff  }
0xa2: {  	[tilespmem:s20+$0xFFFFFF80] =	vst v15;
	v4 =	vld.idx.msk [tilespmem:v13+s4+$0x0], $0xffff  }
0xa3: {  	s21 =	simm.s32 $0x0;
	s22 =	simm.s32 $0x6FA0;
	[tilespmem:s20+$0x0] =	vst v8;
	v5 =	vld.idx.msk [tilespmem:v14+s4+$0x0], $0xffff  }
.LBB2_8:
0xa4: {  	v6 =	vld [tilespmem:s22+$0x70];
	s21 =	sadd.s32 $0x100, s21;
	[tilespmem:s20+$0x10] =	vst v0  }
0xa5: {  	v0 =	vld [tilespmem:s22+$0xFFFFFF90];
	p0 =	slt.u32 s21, $0x1F00;
	[tilespmem:s20+$0x20] =	vst v1  }
0xa6: {  	v1 =	vld [tilespmem:s22+$0xFFFFFFA0];
	[tilespmem:s20+$0x30] =	vst v2  }
0xa7: {  	v2 =	vld [tilespmem:s22+$0xFFFFFFB0];
	[tilespmem:s20+$0x40] =	vst v3  }
0xa8: {  	v3 =	vld [tilespmem:s22+$0xFFFFFFC0];
	[tilespmem:s20+$0x50] =	vst v4  }
0xa9: {  	v4 =	vld [tilespmem:s22+$0xFFFFFFD0];
	[tilespmem:s20+$0x60] =	vst v5  }
0xaa: {  	v5 =	vld [tilespmem:s22+$0xFFFFFFE0]  }
0xab: {  	v7 =	vld [tilespmem:s22+$0xFFFFFFF0]  }
0xac: {  	v6 =	vld.idx.msk [tilespmem:v6+s4+$0x0], $0xffff  }
0xad: {  	v8 =	vld [tilespmem:s22+$0x0]  }
0xae: {  	v9 =	vld [tilespmem:s22+$0x10]  }
0xaf: {  	v10 =	vld [tilespmem:s22+$0x20]  }
0xb0: {  	v11 =	vld [tilespmem:s22+$0x30]  }
0xb1: {  	s20 =	sadd.s32 $0x100, s20;
	v12 =	vld [tilespmem:s22+$0x40]  }
0xb2: {  	v13 =	vld [tilespmem:s22+$0x50];
	[tilespmem:s20+$0x70] =	vst v6  }
0xb3: {  	v6 =	vld [tilespmem:s22+$0x60]  }
0xb4: {  	v14 =	vld [tilespmem:s22+$0xFFFFFF80]  }
0xb5: {  	v0 =	vld.idx.msk [tilespmem:v0+s4+$0x0], $0xffff  }
0xb6: {  	v1 =	vld.idx.msk [tilespmem:v1+s4+$0x0], $0xffff  }
0xb7: {  	v2 =	vld.idx.msk [tilespmem:v2+s4+$0x0], $0xffff  }
0xb8: {  	v3 =	vld.idx.msk [tilespmem:v3+s4+$0x0], $0xffff  }
0xb9: {  	v4 =	vld.idx.msk [tilespmem:v4+s4+$0x0], $0xffff  }
0xba: {  	v5 =	vld.idx.msk [tilespmem:v5+s4+$0x0], $0xffff  }
0xbb: {  	[tilespmem:s20+$0xFFFFFF90] =	vst v0;
	v7 =	vld.idx.msk [tilespmem:v7+s4+$0x0], $0xffff  }
0xbc: {  	v14 =	vld.idx.msk [tilespmem:v14+s4+$0x0], $0xffff;
	[tilespmem:s20+$0xFFFFFFA0] =	vst v1  }
0xbd: {  	[tilespmem:s20+$0xFFFFFFB0] =	vst v2;
	v8 =	vld.idx.msk [tilespmem:v8+s4+$0x0], $0xffff  }
0xbe: {  	[tilespmem:s20+$0xFFFFFFC0] =	vst v3;
	v0 =	vld.idx.msk [tilespmem:v9+s4+$0x0], $0xffff  }
.Ltmp8:
0xbf: {  	[tilespmem:s20+$0xFFFFFFD0] =	vst v4;
	v1 =	vld.idx.msk [tilespmem:v10+s4+$0x0], $0xffff;
	(pc) =	sbr.rel @p0 .LBB2_8-.Ltmp8, $4  }
0xc0: {  	[tilespmem:s20+$0xFFFFFFE0] =	vst v5;
	v2 =	vld.idx.msk [tilespmem:v11+s4+$0x0], $0xffff  }
0xc1: {  	[tilespmem:s20+$0xFFFFFFF0] =	vst v7;
	v3 =	vld.idx.msk [tilespmem:v12+s4+$0x0], $0xffff  }
0xc2: {  	[tilespmem:s20+$0xFFFFFF80] =	vst v14;
	v4 =	vld.idx.msk [tilespmem:v13+s4+$0x0], $0xffff  }
0xc3: {  	s22 =	sadd.s32 $0x100, s22;
	[tilespmem:s20+$0x0] =	vst v8;
	v5 =	vld.idx.msk [tilespmem:v6+s4+$0x0], $0xffff  }
.Ltmp9:
0xc4: {  	_ = 	snop;
	(pc) =	sbr.rel .LBB2_9-.Ltmp9, $1  }
0xc5: {  	_ =	sdelay $0x3  }
.LBB2_13:
0xc6: {  	_ =	sfence.sel $0x180000  }
0xc7: {  	[bflag:$0x0] =	sbarrier.arrive $0xFFFF  }
0xc8: {  	p0 =	sne.s32 s6, $0x0;
	_ =	strace $0x90000047  }
0xc9: {  	s0 =	sadd.s32 @!p0 $0x100000, s0;
	[bflag:$0x2] =	sbarrier.arrive $0xFFFF  }
0xca: {  	[sflag:s0] =	ssyncadd.tile.s32 @!p0 $0x1;
	_ =	shalt  }
.Lfunc_end2:
_tile_overlayer_lowered:
.L_overlay_start_2:
0xcb: {  	(tag) =	ssettag $0x2  }
0xcc: {  	s0 =	rddreg [dreg:$0x0];
	s2 =	stileid.u32  }
0xcd: {  	s1 =	rddreg [dreg:$0x1];
	p0 =	sne.s32 s2, $0x0  }
0xce: {  	s3 =	rddreg [dreg:$0x2];
	[bflag:$0x3] =	sbarrier.arrive $0xFFFF;
	s2 =	simm.s32 @!p0 $0x1C01  }
0xcf: {  	[timem:s3], [sflag:s2] =	dma.local @!p0 [hbm:s0], s1  }
0xd0: {  	s0 =	simm.s32 @!p0 $0x1  }
0xd1: {  	_ =	swait.ge @!p0 [sflag:s0], s1  }
0xd2: {  	s1 =	ssub.s32 @!p0 $0x0, s1;
	[sflag:s0] =	ssyncset.done @!p0 $0x0  }
0xd3: {  	[sflag:s0] =	ssyncadd.s32 @!p0 s1  }
0xd4: {  	[bflag:$0x3] =	sbarrier.arrive $0xFFFF  }
0xd5: {  	_ =	shalt  }

</sc_bundles>
